<compile_context>
chip_gen: v7x
topology: tpu7x:2x2x1
jax: 0.10.2.dev20260603
libtpu: 0.0.44.dev20260713+nightly
codegen_flags: <defaults>
</compile_context>

<pallas_src>
import functools

import jax
import jax.numpy as jnp
from jax import lax
from jax.experimental import pallas as pl
from jax.experimental.pallas import tpu as pltpu
from jax.experimental.pallas import tpu_sc as plsc

L = 16
NW = 32
CH = 128
NCH = 50
TPW = CH * NCH
D = 64
PER = 200 * D


def _emb_call(tok1d, table, pos1d):
    mesh = plsc.VectorSubcoreMesh(core_axis_name="c", subcore_axis_name="s")
    n_tok = tok1d.shape[0]

    @functools.partial(
        pl.kernel,
        mesh=mesh,
        compiler_params=pltpu.CompilerParams(use_tc_tiling_on_sc=False),
        out_type=jax.ShapeDtypeStruct((n_tok, D), jnp.float32),
        scratch_types=[
            pltpu.VMEM((TPW,), jnp.int32),
            pltpu.VMEM((PER,), jnp.float32),
            pltpu.VMEM((CH, D), jnp.float32),
            pltpu.VMEM((CH, D), jnp.float32),
            pltpu.SemaphoreType.DMA,
            pltpu.SemaphoreType.DMA,
            pltpu.SemaphoreType.DMA,
            pltpu.SemaphoreType.DMA,
        ],
    )
    def k(tok_hbm, tab_hbm, pos_hbm, out_hbm, tok_v, pos_v, buf0, buf1,
          gsem0, gsem1, osem0, osem1):
        wid = lax.axis_index("s") * 2 + lax.axis_index("c")
        bufs = (buf0, buf1)
        gsems = (gsem0, gsem1)
        osems = (osem0, osem1)

        pltpu.sync_copy(tok_hbm.at[pl.ds(wid * TPW, TPW)], tok_v)
        pltpu.sync_copy(pos_hbm, pos_v)

        def row0(c):
            return (wid * NCH + c) * CH

        pltpu.async_copy(tab_hbm.at[tok_v.at[pl.ds(0, CH)]], buf0, gsem0)
        pltpu.async_copy(tab_hbm.at[tok_v.at[pl.ds(CH, CH)]], buf1, gsem1)

        def super_body(g, carry):
            for p in range(2):
                c = 2 * g + p
                buf = bufs[p]
                pltpu.make_async_copy(
                    tab_hbm.at[tok_v.at[pl.ds(c * CH, CH)]], buf,
                    gsems[p]).wait()
                @pl.when(g >= 1)
                def _():
                    pltpu.make_async_copy(buf,
                                          out_hbm.at[pl.ds(row0(c), CH)],
                                          osems[p]).wait()

                po0 = lax.rem(c * (CH * D), PER)

                def add_row(r, po):
                    for u in range(D // L):
                        buf[r, pl.ds(u * L, L)] += pos_v[pl.ds(po + u * L, L)]
                    po = po + D
                    return lax.select(po >= PER, po - PER, po)

                lax.fori_loop(0, CH, add_row, po0)

                pltpu.async_copy(buf, out_hbm.at[pl.ds(row0(c), CH)],
                                 osems[p])

                @pl.when(g < (NCH // 2) - 1)
                def _():
                    pltpu.async_copy(
                        tab_hbm.at[tok_v.at[pl.ds((c + 2) * CH, CH)]], buf,
                        gsems[p])
            return carry

        lax.fori_loop(0, NCH // 2, super_body, 0)

        pltpu.make_async_copy(buf0, out_hbm.at[pl.ds(row0(NCH - 2), CH)],
                              osem0).wait()
        pltpu.make_async_copy(buf1, out_hbm.at[pl.ds(row0(NCH - 1), CH)],
                              osem1).wait()

    return k(tok1d, table, pos1d)


def kernel(tokens, token_table, position_embeddings):
    batch, n_token = tokens.shape
    tok1d = tokens.astype(jnp.int32).reshape(-1)
    pos1d = position_embeddings.reshape(-1)
    out = _emb_call(tok1d, token_table, pos1d)
    return out.reshape(batch, n_token, D)

# --- scband reference (transcript-rebuilt; emitter-appended) ---
"""Pipeline reference for scband-clipembedding-11501922419330 (READ-ONLY COPY).

The authoritative reference and input builder live on the scoring server;
editing this copy changes nothing except your own understanding.
"""

import jax, jax.numpy as jnp
import numpy as np

N_VOCAB = 1000000
N_EMBD = 64
N_TOKEN = 200
BATCH = 1024


def setup_inputs(seed: int = 0) -> dict:
    key = jax.random.key(seed)
    k1, k2, k3 = jax.random.split(key, 3)
    tokens = jax.random.randint(k1, (BATCH, N_TOKEN), 0, N_VOCAB)
    token_table = jax.random.normal(k2, (N_VOCAB, N_EMBD), dtype=jnp.float32) * 0.02
    # nn.Parameter(torch.zeros(...)) initializes to zeros, but we use small random
    # values so the op is numerically non-trivial; math is identical.
    position_embeddings = jax.random.normal(k3, (N_TOKEN, N_EMBD), dtype=jnp.float32) * 0.02
    return {"tokens": tokens, "token_table": token_table, "position_embeddings": position_embeddings}


def reference(tokens, token_table, position_embeddings):
    # x = token_embeddings(tokens)  -> gather rows of the table
    x = jnp.take(token_table, tokens, axis=0)  # [B, n_token, n_embd]
    # x += position_embeddings (broadcast over batch)
    x = x + position_embeddings[None, :, :]
    return x

if __name__ == "__main__":
    import jax
    _d = setup_inputs()
    print(jax.jit(kernel)(*tuple(_d.values())))

</pallas_src>

<mosaic_0001>
#map = affine_map<(d0, d1) -> (0)>
#map1 = affine_map<(d0, d1) -> (0, 0)>
module attributes {stable_mosaic.version = 14 : i64} {
  func.func @k(%arg0: i32, %arg1: i32, %arg2: memref<204800xi32, #tpu.memory_space<hbm>>, %arg3: memref<1000000x64xf32, #tpu.memory_space<hbm>>, %arg4: memref<12800xf32, #tpu.memory_space<hbm>>, %arg5: memref<204800x64xf32, #tpu.memory_space<hbm>>, %arg6: memref<6400xi32, #tpu.memory_space<vmem>>, %arg7: memref<12800xf32, #tpu.memory_space<vmem>>, %arg8: memref<128x64xf32, #tpu.memory_space<vmem>>, %arg9: memref<128x64xf32, #tpu.memory_space<vmem>>, %arg10: memref<!tpu.dma_semaphore, #tpu.memory_space<semaphore_mem>>, %arg11: memref<!tpu.dma_semaphore, #tpu.memory_space<semaphore_mem>>, %arg12: memref<!tpu.dma_semaphore, #tpu.memory_space<semaphore_mem>>, %arg13: memref<!tpu.dma_semaphore, #tpu.memory_space<semaphore_mem>>) attributes {dimension_semantics = [#tpu.dimension_semantics<core_parallel>, #tpu.dimension_semantics<subcore_parallel>], iteration_bounds = array<i64: 2, 16>, scalar_prefetch = 0 : i64, scratch_operands = 8 : i64, tpu.core_type = #tpu.core_type<sc_vector_subcore>, window_params = [{transform_indices = #map}, {transform_indices = #map1}, {transform_indices = #map}, {transform_indices = #map1}]} {
    %mul3A = arith.constant 2 : i32
    %mul3A_0 = arith.muli %arg1, %mul3A : i32
    %add3A = arith.addi %mul3A_0, %arg0 : i32
    %mul3A_1 = arith.constant 6400 : i32
    %mul3A_2 = arith.muli %add3A, %mul3A_1 : i32
    "tpu.region"() ({
      %run_scoped3A = tpu.sem_alloc : memref<!tpu.dma_semaphore, #tpu.memory_space<semaphore_mem>>
      %dma_start3A_36 = tpu.memref_slice %arg2[%mul3A_2] : memref<204800xi32, #tpu.memory_space<hbm>> -> memref<6400xi32, #tpu.memory_space<hbm>>
      %dma_start3A_37 = tpu.memref_slice %arg2[%mul3A_2] : memref<204800xi32, #tpu.memory_space<hbm>> -> memref<6400xi32, #tpu.memory_space<hbm>>
      tpu.enqueue_dma source(%dma_start3A_37 : memref<6400xi32, #tpu.memory_space<hbm>>) target(%arg6 : memref<6400xi32, #tpu.memory_space<vmem>>) target_semaphore(%run_scoped3A : memref<!tpu.dma_semaphore, #tpu.memory_space<semaphore_mem>>)
      %dma_wait3A_38 = tpu.memref_slice %arg2[%mul3A_2] : memref<204800xi32, #tpu.memory_space<hbm>> -> memref<6400xi32, #tpu.memory_space<hbm>>
      %dma_wait3A_39 = tpu.memref_slice %arg2[%mul3A_2] : memref<204800xi32, #tpu.memory_space<hbm>> -> memref<6400xi32, #tpu.memory_space<hbm>>
      tpu.wait_dma2 semaphore(%run_scoped3A : memref<!tpu.dma_semaphore, #tpu.memory_space<semaphore_mem>>) src(%dma_wait3A_39 : memref<6400xi32, #tpu.memory_space<hbm>>) dst(%arg6 : memref<6400xi32, #tpu.memory_space<vmem>>)
      tpu.yield
    }) : () -> ()
    "tpu.region"() ({
      %run_scoped3A = tpu.sem_alloc : memref<!tpu.dma_semaphore, #tpu.memory_space<semaphore_mem>>
      tpu.enqueue_dma source(%arg4 : memref<12800xf32, #tpu.memory_space<hbm>>) target(%arg7 : memref<12800xf32, #tpu.memory_space<vmem>>) target_semaphore(%run_scoped3A : memref<!tpu.dma_semaphore, #tpu.memory_space<semaphore_mem>>)
      tpu.wait_dma2 semaphore(%run_scoped3A : memref<!tpu.dma_semaphore, #tpu.memory_space<semaphore_mem>>) src(%arg4 : memref<12800xf32, #tpu.memory_space<hbm>>) dst(%arg7 : memref<12800xf32, #tpu.memory_space<vmem>>)
      tpu.yield
    }) : () -> ()
    %dma_start3A = arith.constant 0 : i32
    %dma_start3A_3 = tpu.memref_slice %arg6[%dma_start3A] : memref<6400xi32, #tpu.memory_space<vmem>> -> memref<128xi32, #tpu.memory_space<vmem>>
    %dma_start3A_4 = arith.constant 0 : i32
    %dma_start3A_5 = arith.constant 0 : i32
    %dma_start3A_6 = tpu.memref_slice %arg3[%dma_start3A_4, %dma_start3A_5] : memref<1000000x64xf32, #tpu.memory_space<hbm>> -> memref<1000000x64xf32, #tpu.memory_space<hbm>>
    tpu.enqueue_indirect_dma source(%dma_start3A_6 : memref<1000000x64xf32, #tpu.memory_space<hbm>>) target(%arg8 : memref<128x64xf32, #tpu.memory_space<vmem>>) offsets(%dma_start3A_3 : memref<128xi32, #tpu.memory_space<vmem>>) semaphore(%arg10 : memref<!tpu.dma_semaphore, #tpu.memory_space<semaphore_mem>>)
    %dma_start3A_7 = arith.constant 128 : i32
    %dma_start3A_8 = tpu.memref_slice %arg6[%dma_start3A_7] : memref<6400xi32, #tpu.memory_space<vmem>> -> memref<128xi32, #tpu.memory_space<vmem>>
    %dma_start3A_9 = arith.constant 0 : i32
    %dma_start3A_10 = arith.constant 0 : i32
    %dma_start3A_11 = tpu.memref_slice %arg3[%dma_start3A_9, %dma_start3A_10] : memref<1000000x64xf32, #tpu.memory_space<hbm>> -> memref<1000000x64xf32, #tpu.memory_space<hbm>>
    tpu.enqueue_indirect_dma source(%dma_start3A_11 : memref<1000000x64xf32, #tpu.memory_space<hbm>>) target(%arg9 : memref<128x64xf32, #tpu.memory_space<vmem>>) offsets(%dma_start3A_8 : memref<128xi32, #tpu.memory_space<vmem>>) semaphore(%arg11 : memref<!tpu.dma_semaphore, #tpu.memory_space<semaphore_mem>>)
    %scan3A = arith.constant 0 : i32
    %scan3A_12 = arith.constant 0 : i32
    %scan3A_13 = arith.constant 25 : i32
    %scan3A_14 = arith.addi %scan3A_12, %scan3A_13 : i32
    %scan3A_15 = arith.constant 1 : i32
    scf.for %scan3A_36 = %scan3A_12 to %scan3A_14 step %scan3A_15  : i32 {
      %mul3A_37 = arith.constant 2 : i32
      %mul3A_38 = arith.muli %mul3A_37, %scan3A_36 : i32
      %add3A_39 = arith.constant 0 : i32
      %add3A_40 = arith.addi %mul3A_38, %add3A_39 : i32
      %mul3A_41 = arith.constant 128 : i32
      %mul3A_42 = arith.muli %add3A_40, %mul3A_41 : i32
      %dma_wait3A_43 = tpu.memref_slice %arg6[%mul3A_42] : memref<6400xi32, #tpu.memory_space<vmem>> -> memref<128xi32, #tpu.memory_space<vmem>>
      %dma_wait3A_44 = arith.constant 0 : i32
      %dma_wait3A_45 = arith.constant 0 : i32
      %dma_wait3A_46 = tpu.memref_slice %arg3[%dma_wait3A_44, %dma_wait3A_45] : memref<1000000x64xf32, #tpu.memory_space<hbm>> -> memref<1000000x64xf32, #tpu.memory_space<hbm>>
      tpu.wait_indirect_dma semaphore(%arg10 : memref<!tpu.dma_semaphore, #tpu.memory_space<semaphore_mem>>) src(%dma_wait3A_46 : memref<1000000x64xf32, #tpu.memory_space<hbm>>) dst(%arg8 : memref<128x64xf32, #tpu.memory_space<vmem>>)
      %ge3A = arith.constant 1 : i32
      %ge3A_47 = arith.cmpi sge, %scan3A_36, %ge3A : i32
      %convert_element_type3A = arith.extui %ge3A_47 : i1 to i32
      %cond3A = arith.constant 0 : i32
      %cond3A_48 = arith.cmpi ne, %convert_element_type3A, %cond3A : i32
      scf.if %cond3A_48 {
        %mul3A_110 = arith.constant 50 : i32
        %mul3A_111 = arith.muli %add3A, %mul3A_110 : i32
        %add3A_112 = arith.addi %mul3A_111, %add3A_40 : i32
        %mul3A_113 = arith.constant 128 : i32
        %mul3A_114 = arith.muli %add3A_112, %mul3A_113 : i32
        %dma_wait3A_115 = arith.constant 0 : i32
        %dma_wait3A_116 = tpu.memref_slice %arg5[%mul3A_114, %dma_wait3A_115] : memref<204800x64xf32, #tpu.memory_space<hbm>> -> memref<128x64xf32, #tpu.memory_space<hbm>>
        %dma_wait3A_117 = arith.constant 0 : i32
        %dma_wait3A_118 = tpu.memref_slice %arg5[%mul3A_114, %dma_wait3A_117] : memref<204800x64xf32, #tpu.memory_space<hbm>> -> memref<128x64xf32, #tpu.memory_space<hbm>>
        tpu.wait_dma2 semaphore(%arg12 : memref<!tpu.dma_semaphore, #tpu.memory_space<semaphore_mem>>) src(%arg8 : memref<128x64xf32, #tpu.memory_space<vmem>>) dst(%dma_wait3A_118 : memref<128x64xf32, #tpu.memory_space<hbm>>)
      } else {
      }
      %mul3A_49 = arith.constant 8192 : i32
      %mul3A_50 = arith.muli %add3A_40, %mul3A_49 : i32
      %rem3A = arith.constant 12800 : i32
      %rem3A_51 = arith.remsi %mul3A_50, %rem3A : i32
      %scan3A_52 = arith.constant 0 : i32
      %scan3A_53 = arith.constant 128 : i32
      %scan3A_54 = arith.addi %scan3A_52, %scan3A_53 : i32
      %scan3A_55 = arith.constant 1 : i32
      %scan3A_56 = scf.for %scan3A_110 = %scan3A_52 to %scan3A_54 step %scan3A_55 iter_args(%scan3A_111 = %rem3A_51) -> (i32)  : i32 {
        %get3A = arith.index_cast %scan3A_110 : i32 to index
        %get3A_112 = arith.constant 0 : index
        %get3A_113 = tpu.vector_load %arg8[%get3A, %get3A_112] {strides = array<i32>} : memref<128x64xf32, #tpu.memory_space<vmem>>, vector<1x16xf32>,
        %get3A_114 = vector.shape_cast %get3A_113 : vector<1x16xf32> to vector<16xf32>
        %add3A_115 = arith.constant 0 : i32
        %add3A_116 = arith.addi %scan3A_111, %add3A_115 : i32
        %get3A_117 = arith.index_cast %add3A_116 : i32 to index
        %get3A_118 = tpu.vector_load %arg7[%get3A_117] {strides = array<i32>} : memref<12800xf32, #tpu.memory_space<vmem>>, vector<16xf32>,
        %get3A_119 = vector.shape_cast %get3A_118 : vector<16xf32> to vector<16xf32>
        %add3A_120 = arith.addf %get3A_114, %get3A_119 : vector<16xf32>
        %swap3A = arith.index_cast %scan3A_110 : i32 to index
        %swap3A_121 = arith.constant 0 : index
        %swap3A_122 = tpu.vector_load %arg8[%swap3A, %swap3A_121] {strides = array<i32>} : memref<128x64xf32, #tpu.memory_space<vmem>>, vector<1x16xf32>,
        %swap3A_123 = vector.shape_cast %swap3A_122 : vector<1x16xf32> to vector<16xf32>
        %swap3A_124 = vector.shape_cast %add3A_120 : vector<16xf32> to vector<1x16xf32>
        tpu.vector_store %arg8[%swap3A, %swap3A_121], %swap3A_124 {strides = array<i32>} : memref<128x64xf32, #tpu.memory_space<vmem>>, vector<1x16xf32>,
        %get3A_125 = arith.index_cast %scan3A_110 : i32 to index
        %get3A_126 = arith.constant 16 : index
        %get3A_127 = tpu.vector_load %arg8[%get3A_125, %get3A_126] {strides = array<i32>} : memref<128x64xf32, #tpu.memory_space<vmem>>, vector<1x16xf32>,
        %get3A_128 = vector.shape_cast %get3A_127 : vector<1x16xf32> to vector<16xf32>
        %add3A_129 = arith.constant 16 : i32
        %add3A_130 = arith.addi %scan3A_111, %add3A_129 : i32
        %get3A_131 = arith.index_cast %add3A_130 : i32 to index
        %get3A_132 = tpu.vector_load %arg7[%get3A_131] {strides = array<i32>} : memref<12800xf32, #tpu.memory_space<vmem>>, vector<16xf32>,
        %get3A_133 = vector.shape_cast %get3A_132 : vector<16xf32> to vector<16xf32>
        %add3A_134 = arith.addf %get3A_128, %get3A_133 : vector<16xf32>
        %swap3A_135 = arith.index_cast %scan3A_110 : i32 to index
        %swap3A_136 = arith.constant 16 : index
        %swap3A_137 = tpu.vector_load %arg8[%swap3A_135, %swap3A_136] {strides = array<i32>} : memref<128x64xf32, #tpu.memory_space<vmem>>, vector<1x16xf32>,
        %swap3A_138 = vector.shape_cast %swap3A_137 : vector<1x16xf32> to vector<16xf32>
        %swap3A_139 = vector.shape_cast %add3A_134 : vector<16xf32> to vector<1x16xf32>
        tpu.vector_store %arg8[%swap3A_135, %swap3A_136], %swap3A_139 {strides = array<i32>} : memref<128x64xf32, #tpu.memory_space<vmem>>, vector<1x16xf32>,
        %get3A_140 = arith.index_cast %scan3A_110 : i32 to index
        %get3A_141 = arith.constant 32 : index
        %get3A_142 = tpu.vector_load %arg8[%get3A_140, %get3A_141] {strides = array<i32>} : memref<128x64xf32, #tpu.memory_space<vmem>>, vector<1x16xf32>,
        %get3A_143 = vector.shape_cast %get3A_142 : vector<1x16xf32> to vector<16xf32>
        %add3A_144 = arith.constant 32 : i32
        %add3A_145 = arith.addi %scan3A_111, %add3A_144 : i32
        %get3A_146 = arith.index_cast %add3A_145 : i32 to index
        %get3A_147 = tpu.vector_load %arg7[%get3A_146] {strides = array<i32>} : memref<12800xf32, #tpu.memory_space<vmem>>, vector<16xf32>,
        %get3A_148 = vector.shape_cast %get3A_147 : vector<16xf32> to vector<16xf32>
        %add3A_149 = arith.addf %get3A_143, %get3A_148 : vector<16xf32>
        %swap3A_150 = arith.index_cast %scan3A_110 : i32 to index
        %swap3A_151 = arith.constant 32 : index
        %swap3A_152 = tpu.vector_load %arg8[%swap3A_150, %swap3A_151] {strides = array<i32>} : memref<128x64xf32, #tpu.memory_space<vmem>>, vector<1x16xf32>,
        %swap3A_153 = vector.shape_cast %swap3A_152 : vector<1x16xf32> to vector<16xf32>
        %swap3A_154 = vector.shape_cast %add3A_149 : vector<16xf32> to vector<1x16xf32>
        tpu.vector_store %arg8[%swap3A_150, %swap3A_151], %swap3A_154 {strides = array<i32>} : memref<128x64xf32, #tpu.memory_space<vmem>>, vector<1x16xf32>,
        %get3A_155 = arith.index_cast %scan3A_110 : i32 to index
        %get3A_156 = arith.constant 48 : index
        %get3A_157 = tpu.vector_load %arg8[%get3A_155, %get3A_156] {strides = array<i32>} : memref<128x64xf32, #tpu.memory_space<vmem>>, vector<1x16xf32>,
        %get3A_158 = vector.shape_cast %get3A_157 : vector<1x16xf32> to vector<16xf32>
        %add3A_159 = arith.constant 48 : i32
        %add3A_160 = arith.addi %scan3A_111, %add3A_159 : i32
        %get3A_161 = arith.index_cast %add3A_160 : i32 to index
        %get3A_162 = tpu.vector_load %arg7[%get3A_161] {strides = array<i32>} : memref<12800xf32, #tpu.memory_space<vmem>>, vector<16xf32>,
        %get3A_163 = vector.shape_cast %get3A_162 : vector<16xf32> to vector<16xf32>
        %add3A_164 = arith.addf %get3A_158, %get3A_163 : vector<16xf32>
        %swap3A_165 = arith.index_cast %scan3A_110 : i32 to index
        %swap3A_166 = arith.constant 48 : index
        %swap3A_167 = tpu.vector_load %arg8[%swap3A_165, %swap3A_166] {strides = array<i32>} : memref<128x64xf32, #tpu.memory_space<vmem>>, vector<1x16xf32>,
        %swap3A_168 = vector.shape_cast %swap3A_167 : vector<1x16xf32> to vector<16xf32>
        %swap3A_169 = vector.shape_cast %add3A_164 : vector<16xf32> to vector<1x16xf32>
        tpu.vector_store %arg8[%swap3A_165, %swap3A_166], %swap3A_169 {strides = array<i32>} : memref<128x64xf32, #tpu.memory_space<vmem>>, vector<1x16xf32>,
        %add3A_170 = arith.constant 64 : i32
        %add3A_171 = arith.addi %scan3A_111, %add3A_170 : i32
        %ge3A_172 = arith.constant 12800 : i32
        %ge3A_173 = arith.cmpi sge, %add3A_171, %ge3A_172 : i32
        %sub3A = arith.constant 12800 : i32
        %sub3A_174 = arith.subi %add3A_171, %sub3A : i32
        %select_n3A = arith.select %ge3A_173, %sub3A_174, %add3A_171 : i32
        scf.yield %select_n3A : i32
      }
      %scan3A_57 = arith.constant 128 : i32
      %mul3A_58 = arith.constant 50 : i32
      %mul3A_59 = arith.muli %add3A, %mul3A_58 : i32
      %add3A_60 = arith.addi %mul3A_59, %add3A_40 : i32
      %mul3A_61 = arith.constant 128 : i32
      %mul3A_62 = arith.muli %add3A_60, %mul3A_61 : i32
      %dma_start3A_63 = arith.constant 0 : i32
      %dma_start3A_64 = tpu.memref_slice %arg5[%mul3A_62, %dma_start3A_63] : memref<204800x64xf32, #tpu.memory_space<hbm>> -> memref<128x64xf32, #tpu.memory_space<hbm>>
      %dma_start3A_65 = arith.constant 0 : i32
      %dma_start3A_66 = tpu.memref_slice %arg5[%mul3A_62, %dma_start3A_65] : memref<204800x64xf32, #tpu.memory_space<hbm>> -> memref<128x64xf32, #tpu.memory_space<hbm>>
      tpu.enqueue_dma source(%arg8 : memref<128x64xf32, #tpu.memory_space<vmem>>) target(%dma_start3A_66 : memref<128x64xf32, #tpu.memory_space<hbm>>) target_semaphore(%arg12 : memref<!tpu.dma_semaphore, #tpu.memory_space<semaphore_mem>>)
      %lt3A = arith.constant 24 : i32
      %lt3A_67 = arith.cmpi slt, %scan3A_36, %lt3A : i32
      %convert_element_type3A_68 = arith.extui %lt3A_67 : i1 to i32
      %cond3A_69 = arith.constant 0 : i32
      %cond3A_70 = arith.cmpi ne, %convert_element_type3A_68, %cond3A_69 : i32
      scf.if %cond3A_70 {
        %add3A_110 = arith.constant 2 : i32
        %add3A_111 = arith.addi %add3A_40, %add3A_110 : i32
        %mul3A_112 = arith.constant 128 : i32
        %mul3A_113 = arith.muli %add3A_111, %mul3A_112 : i32
        %dma_start3A_114 = tpu.memref_slice %arg6[%mul3A_113] : memref<6400xi32, #tpu.memory_space<vmem>> -> memref<128xi32, #tpu.memory_space<vmem>>
        %dma_start3A_115 = arith.constant 0 : i32
        %dma_start3A_116 = arith.constant 0 : i32
        %dma_start3A_117 = tpu.memref_slice %arg3[%dma_start3A_115, %dma_start3A_116] : memref<1000000x64xf32, #tpu.memory_space<hbm>> -> memref<1000000x64xf32, #tpu.memory_space<hbm>>
        tpu.enqueue_indirect_dma source(%dma_start3A_117 : memref<1000000x64xf32, #tpu.memory_space<hbm>>) target(%arg8 : memref<128x64xf32, #tpu.memory_space<vmem>>) offsets(%dma_start3A_114 : memref<128xi32, #tpu.memory_space<vmem>>) semaphore(%arg10 : memref<!tpu.dma_semaphore, #tpu.memory_space<semaphore_mem>>)
      } else {
      }
      %mul3A_71 = arith.constant 2 : i32
      %mul3A_72 = arith.muli %mul3A_71, %scan3A_36 : i32
      %add3A_73 = arith.constant 1 : i32
      %add3A_74 = arith.addi %mul3A_72, %add3A_73 : i32
      %mul3A_75 = arith.constant 128 : i32
      %mul3A_76 = arith.muli %add3A_74, %mul3A_75 : i32
      %dma_wait3A_77 = tpu.memref_slice %arg6[%mul3A_76] : memref<6400xi32, #tpu.memory_space<vmem>> -> memref<128xi32, #tpu.memory_space<vmem>>
      %dma_wait3A_78 = arith.constant 0 : i32
      %dma_wait3A_79 = arith.constant 0 : i32
      %dma_wait3A_80 = tpu.memref_slice %arg3[%dma_wait3A_78, %dma_wait3A_79] : memref<1000000x64xf32, #tpu.memory_space<hbm>> -> memref<1000000x64xf32, #tpu.memory_space<hbm>>
      tpu.wait_indirect_dma semaphore(%arg11 : memref<!tpu.dma_semaphore, #tpu.memory_space<semaphore_mem>>) src(%dma_wait3A_80 : memref<1000000x64xf32, #tpu.memory_space<hbm>>) dst(%arg9 : memref<128x64xf32, #tpu.memory_space<vmem>>)
      %ge3A_81 = arith.constant 1 : i32
      %ge3A_82 = arith.cmpi sge, %scan3A_36, %ge3A_81 : i32
      %convert_element_type3A_83 = arith.extui %ge3A_82 : i1 to i32
      %cond3A_84 = arith.constant 0 : i32
      %cond3A_85 = arith.cmpi ne, %convert_element_type3A_83, %cond3A_84 : i32
      scf.if %cond3A_85 {
        %mul3A_110 = arith.constant 50 : i32
        %mul3A_111 = arith.muli %add3A, %mul3A_110 : i32
        %add3A_112 = arith.addi %mul3A_111, %add3A_74 : i32
        %mul3A_113 = arith.constant 128 : i32
        %mul3A_114 = arith.muli %add3A_112, %mul3A_113 : i32
        %dma_wait3A_115 = arith.constant 0 : i32
        %dma_wait3A_116 = tpu.memref_slice %arg5[%mul3A_114, %dma_wait3A_115] : memref<204800x64xf32, #tpu.memory_space<hbm>> -> memref<128x64xf32, #tpu.memory_space<hbm>>
        %dma_wait3A_117 = arith.constant 0 : i32
        %dma_wait3A_118 = tpu.memref_slice %arg5[%mul3A_114, %dma_wait3A_117] : memref<204800x64xf32, #tpu.memory_space<hbm>> -> memref<128x64xf32, #tpu.memory_space<hbm>>
        tpu.wait_dma2 semaphore(%arg13 : memref<!tpu.dma_semaphore, #tpu.memory_space<semaphore_mem>>) src(%arg9 : memref<128x64xf32, #tpu.memory_space<vmem>>) dst(%dma_wait3A_118 : memref<128x64xf32, #tpu.memory_space<hbm>>)
      } else {
      }
      %mul3A_86 = arith.constant 8192 : i32
      %mul3A_87 = arith.muli %add3A_74, %mul3A_86 : i32
      %rem3A_88 = arith.constant 12800 : i32
      %rem3A_89 = arith.remsi %mul3A_87, %rem3A_88 : i32
      %scan3A_90 = arith.constant 0 : i32
      %scan3A_91 = arith.constant 128 : i32
      %scan3A_92 = arith.addi %scan3A_90, %scan3A_91 : i32
      %scan3A_93 = arith.constant 1 : i32
      %scan3A_94 = scf.for %scan3A_110 = %scan3A_90 to %scan3A_92 step %scan3A_93 iter_args(%scan3A_111 = %rem3A_89) -> (i32)  : i32 {
        %get3A = arith.index_cast %scan3A_110 : i32 to index
        %get3A_112 = arith.constant 0 : index
        %get3A_113 = tpu.vector_load %arg9[%get3A, %get3A_112] {strides = array<i32>} : memref<128x64xf32, #tpu.memory_space<vmem>>, vector<1x16xf32>,
        %get3A_114 = vector.shape_cast %get3A_113 : vector<1x16xf32> to vector<16xf32>
        %add3A_115 = arith.constant 0 : i32
        %add3A_116 = arith.addi %scan3A_111, %add3A_115 : i32
        %get3A_117 = arith.index_cast %add3A_116 : i32 to index
        %get3A_118 = tpu.vector_load %arg7[%get3A_117] {strides = array<i32>} : memref<12800xf32, #tpu.memory_space<vmem>>, vector<16xf32>,
        %get3A_119 = vector.shape_cast %get3A_118 : vector<16xf32> to vector<16xf32>
        %add3A_120 = arith.addf %get3A_114, %get3A_119 : vector<16xf32>
        %swap3A = arith.index_cast %scan3A_110 : i32 to index
        %swap3A_121 = arith.constant 0 : index
        %swap3A_122 = tpu.vector_load %arg9[%swap3A, %swap3A_121] {strides = array<i32>} : memref<128x64xf32, #tpu.memory_space<vmem>>, vector<1x16xf32>,
        %swap3A_123 = vector.shape_cast %swap3A_122 : vector<1x16xf32> to vector<16xf32>
        %swap3A_124 = vector.shape_cast %add3A_120 : vector<16xf32> to vector<1x16xf32>
        tpu.vector_store %arg9[%swap3A, %swap3A_121], %swap3A_124 {strides = array<i32>} : memref<128x64xf32, #tpu.memory_space<vmem>>, vector<1x16xf32>,
        %get3A_125 = arith.index_cast %scan3A_110 : i32 to index
        %get3A_126 = arith.constant 16 : index
        %get3A_127 = tpu.vector_load %arg9[%get3A_125, %get3A_126] {strides = array<i32>} : memref<128x64xf32, #tpu.memory_space<vmem>>, vector<1x16xf32>,
        %get3A_128 = vector.shape_cast %get3A_127 : vector<1x16xf32> to vector<16xf32>
        %add3A_129 = arith.constant 16 : i32
        %add3A_130 = arith.addi %scan3A_111, %add3A_129 : i32
        %get3A_131 = arith.index_cast %add3A_130 : i32 to index
        %get3A_132 = tpu.vector_load %arg7[%get3A_131] {strides = array<i32>} : memref<12800xf32, #tpu.memory_space<vmem>>, vector<16xf32>,
        %get3A_133 = vector.shape_cast %get3A_132 : vector<16xf32> to vector<16xf32>
        %add3A_134 = arith.addf %get3A_128, %get3A_133 : vector<16xf32>
        %swap3A_135 = arith.index_cast %scan3A_110 : i32 to index
        %swap3A_136 = arith.constant 16 : index
        %swap3A_137 = tpu.vector_load %arg9[%swap3A_135, %swap3A_136] {strides = array<i32>} : memref<128x64xf32, #tpu.memory_space<vmem>>, vector<1x16xf32>,
        %swap3A_138 = vector.shape_cast %swap3A_137 : vector<1x16xf32> to vector<16xf32>
        %swap3A_139 = vector.shape_cast %add3A_134 : vector<16xf32> to vector<1x16xf32>
        tpu.vector_store %arg9[%swap3A_135, %swap3A_136], %swap3A_139 {strides = array<i32>} : memref<128x64xf32, #tpu.memory_space<vmem>>, vector<1x16xf32>,
        %get3A_140 = arith.index_cast %scan3A_110 : i32 to index
        %get3A_141 = arith.constant 32 : index
        %get3A_142 = tpu.vector_load %arg9[%get3A_140, %get3A_141] {strides = array<i32>} : memref<128x64xf32, #tpu.memory_space<vmem>>, vector<1x16xf32>,
        %get3A_143 = vector.shape_cast %get3A_142 : vector<1x16xf32> to vector<16xf32>
        %add3A_144 = arith.constant 32 : i32
        %add3A_145 = arith.addi %scan3A_111, %add3A_144 : i32
        %get3A_146 = arith.index_cast %add3A_145 : i32 to index
        %get3A_147 = tpu.vector_load %arg7[%get3A_146] {strides = array<i32>} : memref<12800xf32, #tpu.memory_space<vmem>>, vector<16xf32>,
        %get3A_148 = vector.shape_cast %get3A_147 : vector<16xf32> to vector<16xf32>
        %add3A_149 = arith.addf %get3A_143, %get3A_148 : vector<16xf32>
        %swap3A_150 = arith.index_cast %scan3A_110 : i32 to index
        %swap3A_151 = arith.constant 32 : index
        %swap3A_152 = tpu.vector_load %arg9[%swap3A_150, %swap3A_151] {strides = array<i32>} : memref<128x64xf32, #tpu.memory_space<vmem>>, vector<1x16xf32>,
        %swap3A_153 = vector.shape_cast %swap3A_152 : vector<1x16xf32> to vector<16xf32>
        %swap3A_154 = vector.shape_cast %add3A_149 : vector<16xf32> to vector<1x16xf32>
        tpu.vector_store %arg9[%swap3A_150, %swap3A_151], %swap3A_154 {strides = array<i32>} : memref<128x64xf32, #tpu.memory_space<vmem>>, vector<1x16xf32>,
        %get3A_155 = arith.index_cast %scan3A_110 : i32 to index
        %get3A_156 = arith.constant 48 : index
        %get3A_157 = tpu.vector_load %arg9[%get3A_155, %get3A_156] {strides = array<i32>} : memref<128x64xf32, #tpu.memory_space<vmem>>, vector<1x16xf32>,
        %get3A_158 = vector.shape_cast %get3A_157 : vector<1x16xf32> to vector<16xf32>
        %add3A_159 = arith.constant 48 : i32
        %add3A_160 = arith.addi %scan3A_111, %add3A_159 : i32
        %get3A_161 = arith.index_cast %add3A_160 : i32 to index
        %get3A_162 = tpu.vector_load %arg7[%get3A_161] {strides = array<i32>} : memref<12800xf32, #tpu.memory_space<vmem>>, vector<16xf32>,
        %get3A_163 = vector.shape_cast %get3A_162 : vector<16xf32> to vector<16xf32>
        %add3A_164 = arith.addf %get3A_158, %get3A_163 : vector<16xf32>
        %swap3A_165 = arith.index_cast %scan3A_110 : i32 to index
        %swap3A_166 = arith.constant 48 : index
        %swap3A_167 = tpu.vector_load %arg9[%swap3A_165, %swap3A_166] {strides = array<i32>} : memref<128x64xf32, #tpu.memory_space<vmem>>, vector<1x16xf32>,
        %swap3A_168 = vector.shape_cast %swap3A_167 : vector<1x16xf32> to vector<16xf32>
        %swap3A_169 = vector.shape_cast %add3A_164 : vector<16xf32> to vector<1x16xf32>
        tpu.vector_store %arg9[%swap3A_165, %swap3A_166], %swap3A_169 {strides = array<i32>} : memref<128x64xf32, #tpu.memory_space<vmem>>, vector<1x16xf32>,
        %add3A_170 = arith.constant 64 : i32
        %add3A_171 = arith.addi %scan3A_111, %add3A_170 : i32
        %ge3A_172 = arith.constant 12800 : i32
        %ge3A_173 = arith.cmpi sge, %add3A_171, %ge3A_172 : i32
        %sub3A = arith.constant 12800 : i32
        %sub3A_174 = arith.subi %add3A_171, %sub3A : i32
        %select_n3A = arith.select %ge3A_173, %sub3A_174, %add3A_171 : i32
        scf.yield %select_n3A : i32
      }
      %scan3A_95 = arith.constant 128 : i32
      %mul3A_96 = arith.constant 50 : i32
      %mul3A_97 = arith.muli %add3A, %mul3A_96 : i32
      %add3A_98 = arith.addi %mul3A_97, %add3A_74 : i32
      %mul3A_99 = arith.constant 128 : i32
      %mul3A_100 = arith.muli %add3A_98, %mul3A_99 : i32
      %dma_start3A_101 = arith.constant 0 : i32
      %dma_start3A_102 = tpu.memref_slice %arg5[%mul3A_100, %dma_start3A_101] : memref<204800x64xf32, #tpu.memory_space<hbm>> -> memref<128x64xf32, #tpu.memory_space<hbm>>
      %dma_start3A_103 = arith.constant 0 : i32
      %dma_start3A_104 = tpu.memref_slice %arg5[%mul3A_100, %dma_start3A_103] : memref<204800x64xf32, #tpu.memory_space<hbm>> -> memref<128x64xf32, #tpu.memory_space<hbm>>
      tpu.enqueue_dma source(%arg9 : memref<128x64xf32, #tpu.memory_space<vmem>>) target(%dma_start3A_104 : memref<128x64xf32, #tpu.memory_space<hbm>>) target_semaphore(%arg13 : memref<!tpu.dma_semaphore, #tpu.memory_space<semaphore_mem>>)
      %lt3A_105 = arith.constant 24 : i32
      %lt3A_106 = arith.cmpi slt, %scan3A_36, %lt3A_105 : i32
      %convert_element_type3A_107 = arith.extui %lt3A_106 : i1 to i32
      %cond3A_108 = arith.constant 0 : i32
      %cond3A_109 = arith.cmpi ne, %convert_element_type3A_107, %cond3A_108 : i32
      scf.if %cond3A_109 {
        %add3A_110 = arith.constant 2 : i32
        %add3A_111 = arith.addi %add3A_74, %add3A_110 : i32
        %mul3A_112 = arith.constant 128 : i32
        %mul3A_113 = arith.muli %add3A_111, %mul3A_112 : i32
        %dma_start3A_114 = tpu.memref_slice %arg6[%mul3A_113] : memref<6400xi32, #tpu.memory_space<vmem>> -> memref<128xi32, #tpu.memory_space<vmem>>
        %dma_start3A_115 = arith.constant 0 : i32
        %dma_start3A_116 = arith.constant 0 : i32
        %dma_start3A_117 = tpu.memref_slice %arg3[%dma_start3A_115, %dma_start3A_116] : memref<1000000x64xf32, #tpu.memory_space<hbm>> -> memref<1000000x64xf32, #tpu.memory_space<hbm>>
        tpu.enqueue_indirect_dma source(%dma_start3A_117 : memref<1000000x64xf32, #tpu.memory_space<hbm>>) target(%arg9 : memref<128x64xf32, #tpu.memory_space<vmem>>) offsets(%dma_start3A_114 : memref<128xi32, #tpu.memory_space<vmem>>) semaphore(%arg11 : memref<!tpu.dma_semaphore, #tpu.memory_space<semaphore_mem>>)
      } else {
      }
    }
    %scan3A_16 = arith.constant 25 : i32
    %mul3A_17 = arith.constant 50 : i32
    %mul3A_18 = arith.muli %add3A, %mul3A_17 : i32
    %add3A_19 = arith.constant 48 : i32
    %add3A_20 = arith.addi %mul3A_18, %add3A_19 : i32
    %mul3A_21 = arith.constant 128 : i32
    %mul3A_22 = arith.muli %add3A_20, %mul3A_21 : i32
    %dma_wait3A = arith.constant 0 : i32
    %dma_wait3A_23 = tpu.memref_slice %arg5[%mul3A_22, %dma_wait3A] : memref<204800x64xf32, #tpu.memory_space<hbm>> -> memref<128x64xf32, #tpu.memory_space<hbm>>
    %dma_wait3A_24 = arith.constant 0 : i32
    %dma_wait3A_25 = tpu.memref_slice %arg5[%mul3A_22, %dma_wait3A_24] : memref<204800x64xf32, #tpu.memory_space<hbm>> -> memref<128x64xf32, #tpu.memory_space<hbm>>
    tpu.wait_dma2 semaphore(%arg12 : memref<!tpu.dma_semaphore, #tpu.memory_space<semaphore_mem>>) src(%arg8 : memref<128x64xf32, #tpu.memory_space<vmem>>) dst(%dma_wait3A_25 : memref<128x64xf32, #tpu.memory_space<hbm>>)
    %mul3A_26 = arith.constant 50 : i32
    %mul3A_27 = arith.muli %add3A, %mul3A_26 : i32
    %add3A_28 = arith.constant 49 : i32
    %add3A_29 = arith.addi %mul3A_27, %add3A_28 : i32
    %mul3A_30 = arith.constant 128 : i32
    %mul3A_31 = arith.muli %add3A_29, %mul3A_30 : i32
    %dma_wait3A_32 = arith.constant 0 : i32
    %dma_wait3A_33 = tpu.memref_slice %arg5[%mul3A_31, %dma_wait3A_32] : memref<204800x64xf32, #tpu.memory_space<hbm>> -> memref<128x64xf32, #tpu.memory_space<hbm>>
    %dma_wait3A_34 = arith.constant 0 : i32
    %dma_wait3A_35 = tpu.memref_slice %arg5[%mul3A_31, %dma_wait3A_34] : memref<204800x64xf32, #tpu.memory_space<hbm>> -> memref<128x64xf32, #tpu.memory_space<hbm>>
    tpu.wait_dma2 semaphore(%arg13 : memref<!tpu.dma_semaphore, #tpu.memory_space<semaphore_mem>>) src(%arg9 : memref<128x64xf32, #tpu.memory_space<vmem>>) dst(%dma_wait3A_35 : memref<128x64xf32, #tpu.memory_space<hbm>>)
    return
  }
}

</mosaic_0001>

<sc_bundles>
// kernel: kernel.3.cloned.1.call-start
scs
__scs_entry_jumppad:
0x0: {  	(pc) =	sbr.rel $0x88, $3  }
0x1: {  	(tag) =	ssettag $0x0;
	lr =	simm.s32 $0x1  }
0x2: {  	[smem:$0x3F9E] =	sst lr;
	_ =	strace $0xD0000000  }
0x3: {  	_ = 	snop  }
0x4: {  	_ = 	snop  }
0x5: {  	_ = 	snop  }
0x6: {  	_ = 	snop  }
0x7: {  	_ = 	snop  }
__scs_overlays_trampoline_lowered:
0x8: {  	[smem:$0x3FAD] =	sst s0  }
0x9: {  	[smem:$0x3FAE] =	sst s1  }
0xa: {  	[smem:$0x3FAF] =	sst s2  }
0xb: {  	[smem:$0x3FB0] =	sst s3  }
0xc: {  	[smem:$0x3FB1] =	sst s4  }
0xd: {  	[smem:$0x3FB2] =	sst s5  }
0xe: {  	[smem:$0x3FB3] =	sst s6  }
0xf: {  	[smem:$0x3FB4] =	sst s7  }
0x10: {  	[smem:$0x3FB5] =	sst s8  }
0x11: {  	[smem:$0x3FB6] =	sst s9;
	s0 =	simm.s32 @!p0 $0x0  }
0x12: {  	s1 =	sld [smem:$0x3F9C];
	s0 =	simm.s32 @p0 $0x1  }
0x13: {  	[smem:$0x3FB7] =	sst s0;
	s0 =	simm.s32 @!p1 $0x0  }
0x14: {  	s2 =	sld [smem:$0x3F9B];
	s0 =	simm.s32 @p1 $0x1  }
0x15: {  	[smem:$0x3FB8] =	sst s0;
	s0 =	simm.s32 @!p2 $0x0  }
0x16: {  	s3 =	sld [smem:$0x3FDB];
	s0 =	simm.s32 @p2 $0x1  }
0x17: {  	s4 =	simm.s32 $0x1BF5;
	[smem:$0x3FBA] =	sst s0  }
0x18: {  	s0 =	sld [smem:$0x3F9D];
	_ =	swait.ge [sflag:s4], $0x0  }
0x19: {  	s7 =	sld [smem:$0x3F9E]  }
0x1a: {  	s8 =	sadd.s32 $0xFFFFE003, lr  }
0x1b: {  	s9 =	sadd.s32 $0xFFFFFEF7, lr;
	s5 =	simm.s32 $0xFFFFFFFF;
	p2 =	slt.u32 s8, $0xFFFFF086  }
0x1c: {  	p1 =	slt.u32 s9, $0xF7A;
	s5 =	simm.s32 @!p2 $0x0  }
0x1d: {  	s5 =	simm.s32 @p1 $0x1;
	p0 =	seq.s32 s7, s2  }
0x1e: {  	s7 =	smul.u32 @!p0 $0xF7A, s2;
	p2 =	seq.s32 @!p0 s5, $0x0  }
0x1f: {  	s9 =	smul.u32 $0xF7A, s1;
	s8 =	simm.s32 @!p0 $0x1BF5;
	p2 =	por !p2, p0  }
0x20: {  	[sflag:s8] =	ssyncset.s32 @!p0 $0xFFFFF086;
	s6 =	sadd.s32 @!p0 s3, s7;
	s7 =	simm.s32 @!p0 $0x108  }
0x21: {  	s3 =	sadd.s32 s3, s9;
	s6 =	sadd.s32 @!p0 $0x88, s6;
	s7 =	simm.s32 @p2 $0x1082  }
0x22: {  	[simem:s7], [sflag:s8] =	dma.local @!p0 [hbm:s6], $0xF7A  }
0x23: {  	s9 =	sor.u32 $0xD0000000, s2;
	s6 =	simm.s32 $0x108;
	_ =	swait.ge @!p0 [sflag:s8], $0x0  }
0x24: {  	s3 =	sadd.s32 $0x88, s3;
	s6 =	simm.s32 @!p1 $0x1082;
	[sflag:s4] =	ssyncset.s32 $0xFFFFF086  }
0x25: {  	[simem:s6], [sflag:s4] =	dma.local [hbm:s3], $0xF7A  }
0x26: {  	[smem:$0x3F9E] =	sst s1;
	(tag) =	ssettag s2;
	_ =	strace s9  }
0x27: {  	s1 =	sld [smem:$0x3FAE]  }
0x28: {  	s2 =	sld [smem:$0x3FAF]  }
0x29: {  	s4 =	sld [smem:$0x3FB1]  }
0x2a: {  	p0 =	seq.s32 s5, $0x0;
	s5 =	sld [smem:$0x3FB2]  }
0x2b: {  	s6 =	sld [smem:$0x3FB3]  }
0x2c: {  	s7 =	sld [smem:$0x3FB4]  }
0x2d: {  	s3 =	simm.s32 $0x108;
	s8 =	sld [smem:$0x3FB5]  }
0x2e: {  	s3 =	simm.s32 @!p0 $0x1082;
	s9 =	sld [smem:$0x3FB6]  }
0x2f: {  	lr =	sadd.s32 s0, s3;
	s0 =	sld [smem:$0x3FAD]  }
0x30: {  	s3 =	sld [smem:$0x3FB0]  }
0x31: {  	[smem:$0x3FB9] =	sst s10  }
0x32: {  	s10 =	sld [smem:$0x3FB7];
	_ =	sdelay $0x3  }
0x33: {  	p0 =	seq.s32 s10, $0x1;
	s10 =	sld [smem:$0x3FB9];
	_ =	sdelay $0x3  }
0x34: {  	[smem:$0x3FB9] =	sst s10  }
0x35: {  	s10 =	sld [smem:$0x3FB8];
	_ =	sdelay $0x3  }
0x36: {  	p1 =	seq.s32 s10, $0x1;
	s10 =	sld [smem:$0x3FB9];
	_ =	sdelay $0x3  }
0x37: {  	[smem:$0x3FB9] =	sst s10  }
0x38: {  	s10 =	sld [smem:$0x3FBA]  }
0x39: {  	_ = 	snop;
	(pc) =	sbr.ind lr, $3  }
0x3a: {  	_ = 	snop  }
0x3b: {  	_ = 	snop  }
0x3c: {  	p2 =	seq.s32 s10, $0x1;
	s10 =	sld [smem:$0x3FB9]  }
0x3d: {  	_ =	shalt  }
0x3e: {  	_ =	shalt  }
0x3f: {  	_ =	shalt  }
0x40: {  	_ =	shalt  }
0x41: {  	_ =	shalt  }
0x42: {  	_ =	shalt  }
0x43: {  	_ =	shalt  }
0x44: {  	_ =	shalt  }
0x45: {  	_ =	shalt  }
0x46: {  	_ =	shalt  }
0x47: {  	_ =	shalt  }
0x48: {  	_ =	shalt  }
0x49: {  	_ =	shalt  }
0x4a: {  	_ =	shalt  }
0x4b: {  	_ =	shalt  }
0x4c: {  	_ =	shalt  }
0x4d: {  	_ =	shalt  }
0x4e: {  	_ =	shalt  }
0x4f: {  	_ =	shalt  }
0x50: {  	_ =	shalt  }
0x51: {  	_ =	shalt  }
0x52: {  	_ =	shalt  }
0x53: {  	_ =	shalt  }
0x54: {  	_ =	shalt  }
0x55: {  	_ =	shalt  }
0x56: {  	_ =	shalt  }
0x57: {  	_ =	shalt  }
0x58: {  	_ =	shalt  }
0x59: {  	_ =	shalt  }
0x5a: {  	_ =	shalt  }
0x5b: {  	_ =	shalt  }
0x5c: {  	_ =	shalt  }
0x5d: {  	_ =	shalt  }
0x5e: {  	_ =	shalt  }
0x5f: {  	_ =	shalt  }
0x60: {  	_ =	shalt  }
0x61: {  	_ =	shalt  }
0x62: {  	_ =	shalt  }
0x63: {  	_ =	shalt  }
0x64: {  	_ =	shalt  }
0x65: {  	_ =	shalt  }
0x66: {  	_ =	shalt  }
0x67: {  	_ =	shalt  }
0x68: {  	_ =	shalt  }
0x69: {  	_ =	shalt  }
0x6a: {  	_ =	shalt  }
0x6b: {  	_ =	shalt  }
0x6c: {  	_ =	shalt  }
0x6d: {  	_ =	shalt  }
0x6e: {  	_ =	shalt  }
0x6f: {  	_ =	shalt  }
0x70: {  	_ =	shalt  }
0x71: {  	_ =	shalt  }
0x72: {  	_ =	shalt  }
0x73: {  	_ =	shalt  }
0x74: {  	_ =	shalt  }
0x75: {  	_ =	shalt  }
0x76: {  	_ =	shalt  }
0x77: {  	_ =	shalt  }
0x78: {  	_ =	shalt  }
0x79: {  	_ =	shalt  }
0x7a: {  	_ =	shalt  }
0x7b: {  	_ =	shalt  }
0x7c: {  	_ =	shalt  }
0x7d: {  	_ =	shalt  }
0x7e: {  	_ =	shalt  }
0x7f: {  	_ =	shalt  }
0x80: {  	_ =	shalt  }
0x81: {  	_ =	shalt  }
0x82: {  	_ =	shalt  }
0x83: {  	_ =	shalt  }
0x84: {  	_ =	shalt  }
0x85: {  	_ =	shalt  }
0x86: {  	_ =	shalt  }
0x87: {  	_ =	shalt  }
.Lfunc_end0:
.L_simem_size_0:
called_computation.1_lowered:
.L_overlay_start_0:
0x88: {  	s2 =	sld [smem:$0x3FD9]  }
0x89: {  	s3 =	sld [smem:$0x3FFE];
	_ =	sdelay $0x1  }
0x8a: {  	s1 =	srdreg.scid  }
0x8b: {  	s0 =	sand.u32 $0x1, s1  }
0x8c: {  	s17 =	sshll.u32 s0, $0xA;
	s2 =	sadd.s32 s3, s2  }
0x8d: {  	s2 =	sadd.s32 s2, s17  }
0x8e: {  	[smem:$0x3FC5] =	sst s2  }
0x8f: {  	_ = 	snop  }
0x90: {  	s2 =	sld [smem:$0x3FD0];
	(tm) =	ssettm $0x1  }
0x91: {  	s18 =	sld [smem:$0x3FFB];
	_ =	sdelay $0x3  }
0x92: {  	_ =	strace s18  }
0x93: {  	s3 =	sld [smem:$0x3FFC];
	_ =	sdelay $0x3  }
0x94: {  	_ =	strace s3  }
0x95: {  	s3 =	sld [smem:$0x3FFD];
	_ =	sdelay $0x3  }
0x96: {  	_ =	strace s3  }
0x97: {  	_ =	strace $0x8FFFFFFF  }
0x98: {  	s19 =	sld [smem:$0x3FDB];
	_ =	sdelay $0x1  }
0x99: {  	s4 =	simm.s32 $_scs_section_size  }
0x9a: {  	s5 =	simm.s32 $_size__tile_overlayer_lowered;
	s6 =	simm.s32 $_tile_overlayer_lowered  }
0x9b: {  	s22 =	simm.s32 $0x1BFF;
	s21 =	sshll.u32 s6, $0x1;
	s3 =	sadd.s32 s4, s19  }
0x9c: {  	s7 =	simm.s32 $0x0;
	s20 =	sshll.u32 s5, $0x1;
	s5 =	sadd.s32 s21, s3  }
0x9d: {  	[timem:s7], [sflag:s22] =	dma.local [hbm:s5], s20  }
0x9e: {  	_ =	swait.ge [sflag:s22], s20  }
0x9f: {  	s4 =	ssub.s32 $0x0, s20;
	[sflag:s22] =	ssyncset.done $0x0  }
0xa0: {  	[sflag:s22] =	ssyncadd.s32 s4;
	_ =	sdelay $0x1  }
0xa1: {  	s23 =	simm.s32 $0x1B8B  }
0xa2: {  	_ =	swait.ge [sflag:s23], $0x1  }
0xa3: {  	[sflag:s23] =	ssyncset.done $0x0  }
0xa4: {  	s25 =	simm.s32 $0x1B8E;
	s24 =	sld [smem:$0x3FFE];
	[sflag:s23] =	ssyncadd.s32 $0xFFFFFFFF  }
0xa5: {  	s26 =	simm.s32 $execute0_lowered;
	[smem:$0x3FD2] =	sst s25  }
0xa6: {  	s5 =	sshll.u32 s26, $0x1;
	_ =	strace $0x80000046;
	[dreg:$0x1] =	wrdreg $0xFFFFFFFF  }
0xa7: {  	s28 =	simm.s32 $_size_execute0_lowered;
	s3 =	sadd.s32 s3, s5;
	[dreg:$0x0] =	wrdreg $0x0  }
0xa8: {  	s5 =	sshll.u32 s28, $0x1;
	[dreg:$0x2] =	wrdreg s3  }
0xa9: {  	[dreg:$0x3] =	wrdreg s5  }
0xaa: {  	[dreg:$0x4] =	wrdreg $0xC0  }
0xab: {  	_ =	task [dreg:s7], $0x5FFFF  }
0xac: {  	[dreg:$0x1] =	wrdreg $0xFFFFFFFF  }
0xad: {  	[dreg:$0x0] =	wrdreg $0x60  }
0xae: {  	[dreg:$0x2] =	wrdreg s24  }
0xaf: {  	[dreg:$0x3] =	wrdreg s2  }
0xb0: {  	[dreg:$0x4] =	wrdreg $0x9  }
0xb1: {  	_ =	task.clear_ibuf [dreg:s7], $0x5FFFF;
	_ =	strace $0x90000046  }
0xb2: {  	s29 =	simm.s32 $0x9;
	_ =	strace $0x80000048  }
0xb3: {  	_ =	swait.ge [sflag:s29], $0x1  }
0xb4: {  	[sflag:s29] =	ssyncadd.s32 $0xFFFFFFFF  }
0xb5: {  	_ =	strace $0x90000048  }
0xb6: {  	_ =	sfence  }
0xb7: {  	s30 =	sld [smem:$0x0];
	_ =	sdelay $0x2  }
0xb8: {  	s31 =	sshll.u32 s1, $0xD;
	s1 =	sshrl.u32 s1, $0x2  }
0xb9: {  	s3 =	sand.u32 $0x4000, s31;
	s1 =	sadd.s32 s1, s30  }
0xba: {  	s0 =	sor.u32 s3, s0;
	s1 =	sshll.u32 s1, $0x11  }
0xbb: {  	s0 =	sor.u32 s1, s0  }
0xbc: {  	s0 =	sadd.s32 $0x8F2B, s0  }
0xbd: {  	[sflag:s0] =	ssyncadd.remote.s32 $0x1  }
0xbe: {  	_ =	sfence.sel $0xFFFF  }
0xbf: {  	[dreg:$0x0] =	wrdreg $0xFFFFFFFF;
	(pc) =	sbr.abs _section_cstart, $3  }
0xc0: {  	[dreg:$0x1] =	wrdreg $0xFFFFFFFF  }
0xc1: {  	_ =	task.clear_ibuf [dreg:s7], $0x2FFFF;
	_ =	strace $0x9FFFFFFF  }
0xc2: {  	(tm) =	ssettm $0x7FFFFFFF  }
0xc3: {  	_ =	shalt  }
tec
execute0_lowered:
.L_overlay_start_1:
0x0: {  	(tag) =	ssettag $0x1  }
0x1: {  	s5 =	rddreg [dreg:$0x0];
	s1 =	srdreg.scid  }
0x2: {  	s0 =	stileid.u32;
	s2 =	rddreg [dreg:$0x1];
	s3 =	simm.s32 $0x0  }
0x3: {  	s10 =	simm.s32 $0x1900;
	s11 =	simm.s32 $0x80;
	s12 =	simm.s32 $0x4B00  }
0x4: {  	s13 =	simm.s32 $0x6B00;
	s14 =	simm.s32 $0x1;
	s15 =	simm.s32 $0x2  }
0x5: {  	s16 =	simm.s32 $0x3;
	s17 =	simm.s32 $0x4;
	s18 =	simm.s32 $0x0  }
0x6: {  	s4 =	sand.u32 $0x1, s1;
	s6 =	sshll.u32 s0, $0x1;
	s1 =	rddreg [dreg:$0x2]  }
.Ltmp0:
0x7: {  	[smem:$0x7FF] =	sst s3;
	s7 =	sor.u32 s4, s6;
	(pc) =	sbr.rel .LBB2_1-.Ltmp0, $4  }
0x8: {  	_ =	strace $0x80000047;
	s8 =	ssub.s32 $0x2, s4;
	s6 =	smul.u32 $0x320, s7  }
0x9: {  	s4 =	sadd.s32 $0xF43000, s5;
	s9 =	sshrl.u32 s8, $0x1;
	s7 =	smul.u32 $0x32, s7  }
0xa: {  	s8 =	ssub.s32 s8, s9;
	s9 =	simm.s32 $0x5;
	s6 =	sadd.s32 s6, s5  }
0xb: {  	s5 =	sadd.s32 $0x7000, s5;
	s8 =	smax.u32 s8, $0x1;
	s6 =	sadd.s32 $0xC00, s6  }
.LBB2_8:
0xc: {  	s18 =	sadd.s32 $0x1, s18  }
0xd: {  	_ =	swait.ge [sflag:s16], $0x2000;
	p0 =	sne.s32 s18, s8  }
.Ltmp1:
0xe: {  	[sflag:s16] =	ssyncset.done $0x0;
	(pc) =	sbr.rel @!p0 .LBB2_9-.Ltmp1, $4  }
0xf: {  	[sflag:s16] =	ssyncadd.s32 $0xFFFFE000  }
0x10: {  	_ =	swait.ge [sflag:s17], $0x2000  }
0x11: {  	[sflag:s17] =	ssyncset.done $0x0  }
0x12: {  	[sflag:s17] =	ssyncadd.s32 $0xFFFFE000  }
.LBB2_1:
0x13: {  	[tilespmem:s3], [sflag:$0x5] =	stream.linear.gather [hbm4b:s6+s3], $0x1900, $0x38;
	[tilespmem:$0x8B00] =	vst v63  }
0x14: {  	_ =	swait.ge [sflag:s9], $0x1900  }
0x15: {  	[sflag:s9] =	ssyncset.done $0x0  }
0x16: {  	[sflag:s9] =	ssyncadd.s32 $0xFFFFE700  }
0x17: {  	[tilespmem:s10], [sflag:$0x5] =	stream.linear.gather [hbm4b:s5+s3], $0x3200, $0x38;
	[tilespmem:$0x8B00] =	vst v63  }
0x18: {  	_ =	swait.ge [sflag:s9], $0x3200  }
0x19: {  	[sflag:s9] =	ssyncset.done $0x0  }
0x1a: {  	[sflag:s9] =	ssyncadd.s32 $0xFFFFCE00  }
0x1b: {  	[tilespmem:s12], [sflag:$0x1] =	stream.indirect.gather [hbm4b:s4+s11], $0x40, s3, s11, $0xb8;
	[tilespmem:$0x8B00] =	vst v63  }
0x1c: {  	s19 =	simm.s32 $0x0  }
0x1d: {  	[tilespmem:s13], [sflag:$0x2] =	stream.indirect.gather [hbm4b:s4+s11], $0x40, s11, s11, $0xb8;
	[tilespmem:$0x8B00] =	vst v63  }
.LBB2_2:
0x1e: {  	_ =	swait.ge [sflag:s14], $0x2000;
	s22 =	sshll.u32 s19, $0xE  }
0x1f: {  	p0 =	seq.s32 s19, $0x0;
	[sflag:s14] =	ssyncset.done $0x0;
	s20 =	smulhi.u32 $0x51EB851F, s22  }
0x20: {  	s21 =	simm.s32 @!p0 $0x3;
	[sflag:s14] =	ssyncadd.s32 $0xFFFFE000  }
0x21: {  	_ =	swait.ge @!p0 [sflag:s21], $0x2000;
	s20 =	sshrl.u32 s20, $0xC  }
0x22: {  	[sflag:s21] =	ssyncset.done @!p0 $0x0;
	s23 =	smul.u32 $0x3200, s20  }
0x23: {  	[sflag:s21] =	ssyncadd.s32 @!p0 $0xFFFFE000;
	s21 =	simm.s32 $0x0  }
0x24: {  	s20 =	sshll.u32 s19, $0x1;
	s22 =	ssub.s32 s22, s23;
	v0 =	vld [tilespmem:s21+$0x4B00];
	s23 =	simm.s32 $0x100  }
.LBB2_3:
0x25: {  	p1 =	sne.s32 s23, $0x7F00;
	v1 =	vld [tilespmem:s22+$0x1900];
	_ =	sdelay $0x4  }
0x26: {  	v0 =	vadd.f32 v1, v0;
	_ =	sdelay $0x1  }
0x27: {  	[tilespmem:s21+$0x4B00] =	vst v0;
	v0 =	vld [tilespmem:s21+$0x4B10]  }
0x28: {  	v1 =	vld [tilespmem:s22+$0x1910];
	_ =	sdelay $0x4  }
0x29: {  	v0 =	vadd.f32 v1, v0;
	_ =	sdelay $0x1  }
0x2a: {  	[tilespmem:s21+$0x4B10] =	vst v0;
	v0 =	vld [tilespmem:s21+$0x4B20]  }
0x2b: {  	v1 =	vld [tilespmem:s22+$0x1920];
	_ =	sdelay $0x4  }
0x2c: {  	v0 =	vadd.f32 v1, v0;
	_ =	sdelay $0x1  }
0x2d: {  	[tilespmem:s21+$0x4B20] =	vst v0;
	v0 =	vld [tilespmem:s21+$0x4B30]  }
0x2e: {  	v1 =	vld [tilespmem:s22+$0x1930];
	_ =	sdelay $0x2  }
.Ltmp2:
0x2f: {  	(pc) =	sbr.rel @p1 .LBB2_3-.Ltmp2, $4  }
0x30: {  	_ = 	snop  }
0x31: {  	s24 =	sadd.s32 $0x40, s22;
	s25 =	sshra.s32 s23, $0x2;
	v1 =	vadd.f32 v1, v0  }
0x32: {  	s26 =	sadd.s32 $0xFFFFCE40, s22;
	p2 =	sgt.s32 s24, $0x31FF;
	s22 =	smov.u32 s24  }
0x33: {  	s23 =	sadd.s32 $0x100, s23;
	s22 =	smov.u32 @p2 s26;
	v0 =	vld [tilespmem:s25+$0x4B00];
	[tilespmem:s21+$0x4B30] =	vst v1;
	s21 =	smov.u32 s25  }
0x34: {  	v1 =	vld [tilespmem:s22+$0x1900];
	_ =	sdelay $0x4  }
0x35: {  	v0 =	vadd.f32 v1, v0;
	_ =	sdelay $0x1  }
0x36: {  	[tilespmem:s21+$0x4B00] =	vst v0;
	v0 =	vld [tilespmem:s21+$0x4B10]  }
0x37: {  	v1 =	vld [tilespmem:s22+$0x1910];
	_ =	sdelay $0x4  }
0x38: {  	v0 =	vadd.f32 v1, v0;
	_ =	sdelay $0x1  }
0x39: {  	[tilespmem:s21+$0x4B10] =	vst v0;
	v0 =	vld [tilespmem:s21+$0x4B20]  }
0x3a: {  	v1 =	vld [tilespmem:s22+$0x1920];
	_ =	sdelay $0x4  }
0x3b: {  	v0 =	vadd.f32 v1, v0;
	_ =	sdelay $0x1  }
0x3c: {  	[tilespmem:s21+$0x4B20] =	vst v0;
	v0 =	vld [tilespmem:s21+$0x4B30]  }
0x3d: {  	v1 =	vld [tilespmem:s22+$0x1930];
	_ =	sdelay $0x4  }
0x3e: {  	s28 =	sadd.s32 s7, s20;
	v0 =	vadd.f32 v1, v0  }
0x3f: {  	p1 =	seq.s32 s19, $0x18;
	s22 =	sshll.u32 s28, $0xA  }
0x40: {  	s29 =	sadd.s32 s2, s22;
	[tilespmem:s21+$0x4B30] =	vst v0;
	s21 =	sshll.u32 @!p1 s19, $0x8  }
0x41: {  	[hbm4b:s29+s3] =	stream.linear.scatter [tilespmem:s12], [sflag:$0x3], $0x2000, $0x38;
	[tilespmem:$0x8B00] =	vst v63  }
0x42: {  	s20 =	sor.u32 $0x1, s20;
	s21 =	sand.u32 @!p1 $0x3FFFFF00, s21  }
0x43: {  	s23 =	simm.s32 @!p1 $0x4B00;
	s22 =	simm.s32 @!p1 $0x80;
	s21 =	sadd.s32 @!p1 $0x100, s21  }
0x44: {  	[tilespmem:s23], [sflag:$0x1] =	stream.indirect.gather @!p1 [hbm4b:s4+s22], $0x40, s21, s22, $0xb8;
	[tilespmem:$0x8B00] =	vst v63  }
0x45: {  	s30 =	sshll.u32 s20, $0xD;
	_ =	swait.ge [sflag:s15], $0x2000  }
0x46: {  	s31 =	smulhi.u32 $0x51EB851F, s30;
	[sflag:s15] =	ssyncset.done $0x0  }
0x47: {  	s23 =	simm.s32 @!p0 $0x4;
	[sflag:s15] =	ssyncadd.s32 $0xFFFFE000  }
0x48: {  	s21 =	sshrl.u32 s31, $0xC;
	_ =	swait.ge @!p0 [sflag:s23], $0x2000  }
0x49: {  	s24 =	smul.u32 $0x3200, s21;
	[sflag:s23] =	ssyncset.done @!p0 $0x0  }
0x4a: {  	s21 =	simm.s32 $0x0;
	[sflag:s23] =	ssyncadd.s32 @!p0 $0xFFFFE000  }
0x4b: {  	s22 =	ssub.s32 s30, s24;
	s23 =	simm.s32 $0x100;
	v0 =	vld [tilespmem:s21+$0x6B00]  }
.LBB2_5:
0x4c: {  	p0 =	sne.s32 s23, $0x7F00;
	v1 =	vld [tilespmem:s22+$0x1900];
	_ =	sdelay $0x4  }
0x4d: {  	v0 =	vadd.f32 v1, v0;
	_ =	sdelay $0x1  }
0x4e: {  	[tilespmem:s21+$0x6B00] =	vst v0;
	v0 =	vld [tilespmem:s21+$0x6B10]  }
0x4f: {  	v1 =	vld [tilespmem:s22+$0x1910];
	_ =	sdelay $0x4  }
0x50: {  	v0 =	vadd.f32 v1, v0;
	_ =	sdelay $0x1  }
0x51: {  	[tilespmem:s21+$0x6B10] =	vst v0;
	v0 =	vld [tilespmem:s21+$0x6B20]  }
0x52: {  	v1 =	vld [tilespmem:s22+$0x1920];
	_ =	sdelay $0x4  }
0x53: {  	v0 =	vadd.f32 v1, v0;
	_ =	sdelay $0x1  }
0x54: {  	[tilespmem:s21+$0x6B20] =	vst v0;
	v0 =	vld [tilespmem:s21+$0x6B30]  }
0x55: {  	v1 =	vld [tilespmem:s22+$0x1930];
	_ =	sdelay $0x2  }
.Ltmp3:
0x56: {  	(pc) =	sbr.rel @p0 .LBB2_5-.Ltmp3, $4  }
0x57: {  	_ = 	snop  }
0x58: {  	s24 =	sadd.s32 $0x40, s22;
	s25 =	sshra.s32 s23, $0x2;
	v1 =	vadd.f32 v1, v0  }
0x59: {  	s26 =	sadd.s32 $0xFFFFCE40, s22;
	p2 =	sgt.s32 s24, $0x31FF;
	s22 =	smov.u32 s24  }
0x5a: {  	s23 =	sadd.s32 $0x100, s23;
	s22 =	smov.u32 @p2 s26;
	v0 =	vld [tilespmem:s25+$0x6B00];
	[tilespmem:s21+$0x6B30] =	vst v1;
	s21 =	smov.u32 s25  }
0x5b: {  	v1 =	vld [tilespmem:s22+$0x1900];
	_ =	sdelay $0x4  }
0x5c: {  	v0 =	vadd.f32 v1, v0;
	_ =	sdelay $0x1  }
0x5d: {  	v58 =	vld [tilespmem:s21+$0x6B10];
	[tilespmem:s21+$0x6B00] =	vst v0  }
0x5e: {  	v59 =	vld [tilespmem:s22+$0x1910];
	_ =	sdelay $0x4  }
0x5f: {  	v0 =	vadd.f32 v59, v58;
	_ =	sdelay $0x1  }
0x60: {  	v60 =	vld [tilespmem:s21+$0x6B20];
	[tilespmem:s21+$0x6B10] =	vst v0  }
0x61: {  	v61 =	vld [tilespmem:s22+$0x1920];
	_ =	sdelay $0x4  }
0x62: {  	v0 =	vadd.f32 v61, v60;
	_ =	sdelay $0x1  }
0x63: {  	v62 =	vld [tilespmem:s21+$0x6B30];
	[tilespmem:s21+$0x6B20] =	vst v0  }
0x64: {  	v63 =	vld [tilespmem:s22+$0x1930];
	_ =	sdelay $0x3  }
.Ltmp4:
0x65: {  	s20 =	sadd.s32 s7, s20;
	(pc) =	sbr.rel @p1 .LBB2_8-.Ltmp4, $4  }
0x66: {  	s20 =	sshll.u32 s20, $0xA;
	v0 =	vadd.f32 v63, v62  }
0x67: {  	s20 =	sand.u32 $0x1FFFFC00, s20  }
0x68: {  	s20 =	sadd.s32 s2, s20;
	[tilespmem:s21+$0x6B30] =	vst v0  }
0x69: {  	[hbm4b:s20+s3] =	stream.linear.scatter [tilespmem:s13], [sflag:$0x4], $0x2000, $0x38;
	[tilespmem:$0x8B00] =	vst v63  }
.Ltmp5:
0x6a: {  	(pc) =	sbr.rel .LBB2_2-.Ltmp5, $4  }
0x6b: {  	s20 =	sshll.u32 s19, $0x8  }
0x6c: {  	s20 =	sand.u32 $0x3FFFFF00, s20  }
0x6d: {  	s19 =	sadd.s32 $0x1, s19;
	s20 =	sadd.s32 $0x180, s20  }
0x6e: {  	[tilespmem:s13], [sflag:$0x2] =	stream.indirect.gather [hbm4b:s4+s11], $0x40, s20, s11, $0xb8;
	[tilespmem:$0x8B00] =	vst v63  }
.LBB2_9:
0x6f: {  	_ =	sfence.sel $0x180000  }
0x70: {  	[bflag:$0x0] =	sbarrier.arrive $0xFFFF  }
0x71: {  	p0 =	sne.s32 s0, $0x0;
	_ =	strace $0x90000047  }
0x72: {  	s0 =	sadd.s32 @!p0 $0x100000, s1;
	[bflag:$0x2] =	sbarrier.arrive $0xFFFF  }
0x73: {  	[sflag:s0] =	ssyncadd.tile.s32 @!p0 $0x1;
	_ =	shalt  }
.Lfunc_end2:
_tile_overlayer_lowered:
.L_overlay_start_2:
0x74: {  	(tag) =	ssettag $0x2  }
0x75: {  	s0 =	rddreg [dreg:$0x0];
	s2 =	stileid.u32  }
0x76: {  	s1 =	rddreg [dreg:$0x1];
	p0 =	sne.s32 s2, $0x0  }
0x77: {  	s3 =	rddreg [dreg:$0x2];
	[bflag:$0x3] =	sbarrier.arrive $0xFFFF;
	s2 =	simm.s32 @!p0 $0x1C05  }
0x78: {  	[timem:s3], [sflag:s2] =	dma.local @!p0 [hbm:s0], s1  }
0x79: {  	s0 =	simm.s32 @!p0 $0x5  }
0x7a: {  	_ =	swait.ge @!p0 [sflag:s0], s1  }
0x7b: {  	s1 =	ssub.s32 @!p0 $0x0, s1;
	[sflag:s0] =	ssyncset.done @!p0 $0x0  }
0x7c: {  	[sflag:s0] =	ssyncadd.s32 @!p0 s1  }
0x7d: {  	[bflag:$0x3] =	sbarrier.arrive $0xFFFF  }
0x7e: {  	_ =	shalt  }

// kernel: sparse-core-data-format-call.cloned.1.call-start
scs
called_computation_lowered:
.L_overlay_start_0:
0x0: {  	s2 =	sld [smem:$0x3FD9]  }
0x1: {  	s3 =	sld [smem:$0x3FFE];
	_ =	sdelay $0x1  }
0x2: {  	s1 =	srdreg.scid  }
0x3: {  	s0 =	sand.u32 $0x1, s1  }
0x4: {  	s18 =	sshll.u32 s0, $0xA;
	s2 =	sadd.s32 s3, s2  }
0x5: {  	s2 =	sadd.s32 s2, s18  }
0x6: {  	[smem:$0x3FC5] =	sst s2  }
0x7: {  	_ = 	snop  }
0x8: {  	s2 =	sld [smem:$0x3FD0];
	(tm) =	ssettm $0x1  }
0x9: {  	s19 =	sld [smem:$0x3FFB];
	_ =	sdelay $0x3  }
0xa: {  	_ =	strace s19  }
0xb: {  	s3 =	sld [smem:$0x3FFC];
	_ =	sdelay $0x3  }
0xc: {  	_ =	strace s3  }
0xd: {  	s3 =	sld [smem:$0x3FFD];
	_ =	sdelay $0x3  }
0xe: {  	_ =	strace s3  }
0xf: {  	_ =	strace $0x8FFFFFFF  }
0x10: {  	s20 =	sld [smem:$0x3FDB];
	_ =	sdelay $0x1  }
0x11: {  	s4 =	simm.s32 $_scs_section_size  }
0x12: {  	s5 =	simm.s32 $_size__tile_overlayer_lowered;
	s6 =	simm.s32 $_tile_overlayer_lowered  }
0x13: {  	s23 =	simm.s32 $0x1BFF;
	s22 =	sshll.u32 s6, $0x1;
	s3 =	sadd.s32 s4, s20  }
0x14: {  	s7 =	simm.s32 $0x0;
	s21 =	sshll.u32 s5, $0x1;
	s5 =	sadd.s32 s22, s3  }
0x15: {  	[timem:s7], [sflag:s23] =	dma.local [hbm:s5], s21  }
0x16: {  	_ =	swait.ge [sflag:s23], s21  }
0x17: {  	s4 =	ssub.s32 $0x0, s21;
	[sflag:s23] =	ssyncset.done $0x0  }
0x18: {  	[sflag:s23] =	ssyncadd.s32 s4;
	_ =	sdelay $0x1  }
0x19: {  	s24 =	simm.s32 $0x1B8B  }
0x1a: {  	_ =	swait.ge [sflag:s24], $0x1  }
0x1b: {  	[sflag:s24] =	ssyncset.done $0x0  }
0x1c: {  	s26 =	simm.s32 $0x1B8E;
	s25 =	sld [smem:$0x3FFE];
	[sflag:s24] =	ssyncadd.s32 $0xFFFFFFFF  }
0x1d: {  	s27 =	simm.s32 $execute0_lowered;
	[smem:$0x3FD2] =	sst s26  }
0x1e: {  	s5 =	sshll.u32 s27, $0x1;
	_ =	strace $0x80000049;
	[dreg:$0x1] =	wrdreg $0xFFFFFFFF  }
0x1f: {  	s28 =	simm.s32 $_size_execute0_lowered;
	s3 =	sadd.s32 s3, s5;
	[dreg:$0x0] =	wrdreg $0x0  }
0x20: {  	s5 =	sshll.u32 s28, $0x1;
	[dreg:$0x2] =	wrdreg s3  }
0x21: {  	[dreg:$0x3] =	wrdreg s5  }
0x22: {  	[dreg:$0x4] =	wrdreg $0xC0  }
0x23: {  	_ =	task [dreg:s7], $0x5FFFF  }
0x24: {  	[dreg:$0x1] =	wrdreg $0xFFFFFFFF  }
0x25: {  	[dreg:$0x0] =	wrdreg $0x60  }
0x26: {  	[dreg:$0x2] =	wrdreg s25  }
0x27: {  	[dreg:$0x3] =	wrdreg s2  }
0x28: {  	[dreg:$0x4] =	wrdreg $0x9  }
0x29: {  	_ =	task.clear_ibuf [dreg:s7], $0x5FFFF;
	_ =	strace $0x90000049  }
0x2a: {  	s29 =	simm.s32 $0x9;
	_ =	strace $0x8000004B  }
0x2b: {  	_ =	swait.ge [sflag:s29], $0x1  }
0x2c: {  	[sflag:s29] =	ssyncadd.s32 $0xFFFFFFFF  }
0x2d: {  	_ =	strace $0x9000004B  }
0x2e: {  	_ =	sfence  }
0x2f: {  	s30 =	sld [smem:$0x0];
	_ =	sdelay $0x2  }
0x30: {  	s31 =	sshll.u32 s1, $0xD;
	s1 =	sshrl.u32 s1, $0x2  }
0x31: {  	s3 =	sand.u32 $0x4000, s31;
	s1 =	sadd.s32 s1, s30  }
0x32: {  	s0 =	sor.u32 s3, s0;
	s1 =	sshll.u32 s1, $0x11  }
0x33: {  	s0 =	sor.u32 s1, s0  }
0x34: {  	s0 =	sadd.s32 $0x8F2B, s0  }
0x35: {  	[sflag:s0] =	ssyncadd.remote.s32 $0x1  }
0x36: {  	_ =	sfence.sel $0xFFFF  }
0x37: {  	[dreg:$0x0] =	wrdreg $0xFFFFFFFF;
	(pc) =	sbr.abs _section_cstart, $3  }
0x38: {  	[dreg:$0x1] =	wrdreg $0xFFFFFFFF  }
0x39: {  	_ =	task.clear_ibuf [dreg:s7], $0x2FFFF;
	_ =	strace $0x9FFFFFFF  }
0x3a: {  	(tm) =	ssettm $0x7FFFFFFF  }
0x3b: {  	_ =	shalt  }
tec
execute0_lowered:
.L_overlay_start_1:
0x0: {  	(tag) =	ssettag $0x1  }
0x1: {  	s0 =	stileid.u32;
	s6 =	rddreg [dreg:$0x0]  }
0x2: {  	s2 =	rddreg [dreg:$0x1];
	s5 =	srdreg.scid  }
0x3: {  	s31 =	simm.s32 $0x2;
	s13 =	simm.s32 $0x0;
	s1 =	sshll.u32 s0, $0x7  }
0x4: {  	s14 =	simm.s32 $0x0;
	s12 =	simm.s32 $0x0;
	s3 =	sand.u32 $0x380, s1  }
0x5: {  	s5 =	sshll.u32 s5, $0x4;
	s6 =	sadd.s32 $0xC00, s6;
	s4 =	ssub.s32 $0x400, s3  }
0x6: {  	s1 =	rddreg [dreg:$0x2];
	_ =	strace $0x8000004A;
	s7 =	sand.u32 $0x380, s4  }
0x7: {  	s5 =	sand.u32 $0x10, s5;
	p0 =	sne.s32 s7, $0x0;
	s7 =	simm.s32 $0x1  }
.Ltmp0:
0x8: {  	s8 =	sshrl.u32 s4, $0xA;
	s7 =	simm.s32 @!p0 $0x0;
	(pc) =	sbr.rel .LBB1_1-.Ltmp0, $4  }
0x9: {  	s9 =	sor.u32 s0, s5;
	s4 =	simm.s32 $0x1;
	s30 =	sadd.s32 s7, s8  }
0xa: {  	s11 =	smov.u32 s3;
	[sflag:s4] =	ssyncpa.u1 $0x0;
	s5 =	smul.u32 $0x32, s30  }
0xb: {  	[sflag:s31] =	ssyncpa.u1 $0x0;
	p0 =	por $0x0, $0x0;
	s7 =	sshrl.u32 s9, $0x3  }
0xc: {  	s9 =	simm.s32 $0x2000;
	s10 =	smov.u32 s7;
	s8 =	sor.u32 $0x1, s5  }
.LBB1_4:
0xd: {  	s17 =	sand.u32 $0x1F80, s14;
	s13 =	sshll.u32 s13, $0xD  }
0xe: {  	[tilespmem:s16+$0x810 ss:$0x81] =	vst.msk $0xffff, v2;
	s18 =	sshrl.u32 s14, $0x3;
	s31 =	sand.u32 $0x7, s14;
	s17 =	sadd.s32 s2, s17  }
0xf: {  	[tilespmem:s16+$0x1020 ss:$0x81] =	vst.msk $0xffff, v0;
	s18 =	sand.u32 $0xF, s18;
	s14 =	sshll.u32 s31, $0x12;
	s13 =	sadd.s32 s13, s17  }
0x10: {  	[tilespmem:s16+$0x0 ss:$0x81] =	vst.msk $0xffff, v1;
	s14 =	sor.u32 $0x400, s14;
	s13 =	sadd.s32 s18, s13  }
0x11: {  	[hbm4b:s13+s14] =	stream.strided.scatter [tilespmem:s15], [sflag:$0x2], $0x2000, s9, s14, $0x20;
	[tilespmem:$0x8080] =	vst v63  }
.LBB1_5:
0x12: {  	s15 =	sadd.s32 $0x4, s10  }
0x13: {  	s13 =	sadd.s32 $0x400, s11;
	s17 =	smov.u32 s11;
	p2 =	sgt.s32 s15, $0xC7  }
0x14: {  	s17 =	smov.u32 @p2 s13  }
0x15: {  	s15 =	smov.u32 @p2 s7;
	p2 =	sgt.s32 s17, $0x3FF  }
0x16: {  	s17 =	smov.u32 @p2 s3;
	p2 =	sne.s32 s12, s8  }
.Ltmp1:
0x17: {  	p1 =	slt.u32 s12, $0x2;
	(pc) =	sbr.rel @!p2 .LBB1_6-.Ltmp1, $4  }
0x18: {  	s16 =	simm.s32 @!p1 $0x2  }
0x19: {  	s14 =	smov.u32 s11;
	p0 =	por !p0, !p0;
	_ =	swait.ge @!p1 [sflag:s16], $0x2000  }
0x1a: {  	s13 =	smov.u32 s10;
	[sflag:s16] =	ssyncset.done @!p1 $0x0;
	s10 =	smov.u32 s15  }
0x1b: {  	s12 =	sadd.s32 $0x1, s12;
	[sflag:s16] =	ssyncadd.s32 @!p1 $0xFFFFE000;
	s11 =	smov.u32 s17  }
.LBB1_1:
0x1c: {  	p1 =	sge.u32 s12, s5  }
0x1d: {  	s15 =	sand.u32 @!p1 $0x1FFFFFF, s10  }
0x1e: {  	s16 =	smulhi.u32 @!p1 $0x147AE15, s15;
	_ =	sdelay $0x1  }
0x1f: {  	s16 =	smul.u32 @!p1 $0xC8, s16  }
0x20: {  	s17 =	sxor.u32 @!p1 $0xFFFFFFFF, s12;
	s18 =	smul.u32 @!p1 $0xC80, s11  }
0x21: {  	s31 =	sadd.s32 $0xFFFFFFFF, s12;
	s17 =	sshll.u32 @!p1 s17, $0xD;
	s15 =	ssub.s32 @!p1 s15, s16  }
0x22: {  	s16 =	sand.u32 @!p1 $0x2000, s17;
	s17 =	sadd.s32 @!p1 s6, s18;
	s15 =	sshll.u32 @!p1 s15, $0x4  }
0x23: {  	s18 =	simm.s32 @!p1 $0x6400;
	s15 =	sadd.s32 @!p1 s15, s17;
	s17 =	simm.s32 @!p1 $0x40  }
0x24: {  	[tilespmem:s16], [sflag:$0x1] =	stream.strided.gather @!p1 [hbm4b:s15+s17], $0x2000, s18, s17, $0x38;
	[tilespmem:$0x8080] =	vst v63  }
0x25: {  	p1 =	sge.u32 s31, s5  }
.Ltmp2:
0x26: {  	_ = 	snop;
	(pc) =	sbr.rel @p1 .LBB1_5-.Ltmp2, $1  }
0x27: {  	_ =	sdelay $0x3  }
0x28: {  	s15 =	simm.s32 $0x1  }
0x29: {  	_ =	swait.ge [sflag:s4], $0x2000;
	s15 =	simm.s32 @!p0 $0x0  }
0x2a: {  	[sflag:s4] =	ssyncset.done $0x0;
	s16 =	sshll.u32 s15, $0xD  }
0x2b: {  	[sflag:s4] =	ssyncadd.s32 $0xFFFFE000;
	s19 =	sor.u32 $0x20, s16  }
0x2c: {  	s15 =	smul.u32 $0x8100, s15;
	v3 =	vld [tilespmem:s19+$0x10]  }
0x2d: {  	s30 =	sand.u32 $0x1, s12;
	v2 =	vld [tilespmem:s19+$0xFFFFFFF0]  }
0x2e: {  	s16 =	smul.u32 $0x8100, s30;
	s15 =	sshrl.u32 s15, $0x2;
	v0 =	vld [tilespmem:s19+$0x0]  }
0x2f: {  	v1 =	vld [tilespmem:s19+$0xFFFFFFE0];
	s17 =	sor.u32 $0x4000, s15  }
0x30: {  	s31 =	sshrl.u32 s16, $0x2;
	s16 =	sadd.s32 $0x0, s17  }
0x31: {  	s18 =	simm.s32 $0x4;
	s19 =	sadd.s32 $0x40, s19;
	s15 =	sor.u32 $0x4000, s31;
	[tilespmem:s16+$0x1830 ss:$0x81] =	vst.msk $0xffff, v3  }
.LBB1_3:
0x32: {  	v3 =	vld [tilespmem:s19+$0x10];
	p1 =	sne.s32 s18, $0x1FC;
	[tilespmem:s16+$0x810 ss:$0x81] =	vst.msk $0xffff, v2;
	s20 =	smov.u32 s18;
	s18 =	sadd.s32 $0x4, s18  }
.Ltmp3:
0x33: {  	v2 =	vld [tilespmem:s19+$0xFFFFFFF0];
	[tilespmem:s16+$0x1020 ss:$0x81] =	vst.msk $0xffff, v0;
	(pc) =	sbr.rel @p1 .LBB1_3-.Ltmp3, $4  }
0x34: {  	v0 =	vld [tilespmem:s19+$0x0];
	[tilespmem:s16+$0x0 ss:$0x81] =	vst.msk $0xffff, v1  }
0x35: {  	s16 =	sshra.s32 s20, $0x2;
	v1 =	vld [tilespmem:s19+$0xFFFFFFE0]  }
0x36: {  	s16 =	sadd.s32 s16, s17  }
0x37: {  	s19 =	sadd.s32 $0x40, s19;
	[tilespmem:s16+$0x1830 ss:$0x81] =	vst.msk $0xffff, v3  }
.Ltmp4:
0x38: {  	_ = 	snop;
	(pc) =	sbr.rel .LBB1_4-.Ltmp4, $1  }
0x39: {  	_ =	sdelay $0x3  }
.LBB1_6:
0x3a: {  	_ =	sfence.sel $0x180000  }
0x3b: {  	s2 =	simm.s32 $0x1;
	[bflag:$0x0] =	sbarrier.arrive $0xFFFF  }
0x3c: {  	s31 =	simm.s32 $0x2;
	[sflag:s2] =	ssyncpa.u1 $0x1  }
0x3d: {  	[sflag:s31] =	ssyncpa.u1 $0x1  }
0x3e: {  	p0 =	sne.s32 s0, $0x0;
	_ =	strace $0x9000004A  }
0x3f: {  	s0 =	sadd.s32 @!p0 $0x100000, s1;
	[bflag:$0x2] =	sbarrier.arrive $0xFFFF  }
0x40: {  	[sflag:s0] =	ssyncadd.tile.s32 @!p0 $0x1;
	_ =	shalt  }
.Lfunc_end1:
_tile_overlayer_lowered:
.L_overlay_start_2:
0x41: {  	(tag) =	ssettag $0x2  }
0x42: {  	s0 =	rddreg [dreg:$0x0];
	s2 =	stileid.u32  }
0x43: {  	s1 =	rddreg [dreg:$0x1];
	p0 =	sne.s32 s2, $0x0  }
0x44: {  	s3 =	rddreg [dreg:$0x2];
	[bflag:$0x3] =	sbarrier.arrive $0xFFFF;
	s2 =	simm.s32 @!p0 $0x1C01  }
0x45: {  	[timem:s3], [sflag:s2] =	dma.local @!p0 [hbm:s0], s1  }
0x46: {  	s0 =	simm.s32 @!p0 $0x1  }
0x47: {  	_ =	swait.ge @!p0 [sflag:s0], s1  }
0x48: {  	s1 =	ssub.s32 @!p0 $0x0, s1;
	[sflag:s0] =	ssyncset.done @!p0 $0x0  }
0x49: {  	[sflag:s0] =	ssyncadd.s32 @!p0 s1  }
0x4a: {  	[bflag:$0x3] =	sbarrier.arrive $0xFFFF  }
0x4b: {  	_ =	shalt  }

</sc_bundles>
